<compile_context>
chip_gen: v7x
topology: tpu7x:2x2x1
jax: 0.10.2.dev20260603
libtpu: 0.0.44.dev20260713+nightly
codegen_flags: <defaults>
</compile_context>

<pallas_src>
import jax
import jax.numpy as jnp
from jax.experimental import pallas as pl

f32 = jnp.float32
bf16 = jnp.bfloat16
B, N, K = 16, 2048, 16
M = 512
NKEEP = 1536
RT = 256


def _bq(x):
    return x.astype(bf16).astype(f32)


def _lf_kernel(c_ref, ct_ref, xc_ref, xr_ref, o_ref):
    c = c_ref[0]
    ct = ct_ref[0]
    dot = jnp.dot(_bq(c), _bq(ct), preferred_element_type=f32)
    pd = (-xr_ref[0] + jnp.float32(2.0) * dot) - xc_ref[0]
    t = jax.lax.bitcast_convert_type(pd, jnp.int32)
    t = jnp.where(t < 0, jnp.int32(0x7FFFFFFF) ^ t, t)
    iota = jax.lax.broadcasted_iota(jnp.int32, (RT, N), 1)
    cx = ct[0:1, :]; cy = ct[1:2, :]; cz = ct[2:3, :]
    sx = c[:, 0:1]; sy = c[:, 1:2]; sz = c[:, 2:3]
    NEG = jnp.float32(-3.4e38)

    def body(k, carry):
        t_, selmask = carry
        m = jnp.max(t_, axis=1, keepdims=True)
        sel = jnp.min(jnp.where(t_ == m, iota, N), axis=1, keepdims=True)
        onehot = iota == sel
        selmask = jnp.where(onehot, jnp.float32(1.0), selmask)
        t_ = jnp.where(onehot, jnp.int32(-2147483647 - 1), t_)
        return t_, selmask

    selmask0 = jnp.zeros((RT, N), dtype=f32)
    t, selmask = jax.lax.fori_loop(0, K, body, (t, selmask0))
    keep = selmask > 0
    mx = jnp.max(jnp.where(keep, cx - sx, NEG), axis=1, keepdims=True)
    my = jnp.max(jnp.where(keep, cy - sy, NEG), axis=1, keepdims=True)
    mz = jnp.max(jnp.where(keep, cz - sz, NEG), axis=1, keepdims=True)
    o_ref[0] = jnp.concatenate([mx, my, mz], axis=1)


def _lf_pallas(c):
    ct = jnp.swapaxes(c, 1, 2)
    xx = jnp.sum(ct ** 2, axis=1)
    return pl.pallas_call(
        _lf_kernel,
        grid=(B, N // RT),
        in_specs=[pl.BlockSpec((1, RT, 3), lambda b, r: (b, r, 0)),
                  pl.BlockSpec((1, 3, N), lambda b, r: (b, 0, 0)),
                  pl.BlockSpec((1, RT, 1), lambda b, r: (b, r, 0)),
                  pl.BlockSpec((1, 1, N), lambda b, r: (b, 0, 0))],
        out_specs=pl.BlockSpec((1, RT, 3), lambda b, r: (b, r, 0)),
        out_shape=jax.ShapeDtypeStruct((B, N, 3), f32),
    )(c, ct, xx[:, :, None], xx[:, None, :])


def _fps_kernel(px_ref, py_ref, pz_ref, ox_ref, oy_ref, oz_ref):
    px, py, pz = px_ref[...], py_ref[...], pz_ref[...]
    iota = jax.lax.broadcasted_iota(jnp.int32, (B, N), 1)
    iota_m = jax.lax.broadcasted_iota(jnp.int32, (B, M), 1)
    mind0 = jnp.full((B, N), 1e10, dtype=f32)
    lx0, ly0, lz0 = px[:, 0:1], py[:, 0:1], pz[:, 0:1]
    ox0 = jnp.where(iota_m == 0, lx0, 0.0)
    oy0 = jnp.where(iota_m == 0, ly0, 0.0)
    oz0 = jnp.where(iota_m == 0, lz0, 0.0)

    def body(i, carry):
        mind, lx, ly, lz, ox, oy, oz = carry
        dx = px - lx; dy = py - ly; dz = pz - lz
        dsq = dx * dx + dy * dy + dz * dz
        mind = jnp.minimum(mind, dsq)
        m = jnp.max(mind, axis=1, keepdims=True)
        sel = jnp.min(jnp.where(mind == m, iota, N), axis=1, keepdims=True)
        onehot = iota == sel
        lx = jnp.sum(jnp.where(onehot, px, 0.0), axis=1, keepdims=True)
        ly = jnp.sum(jnp.where(onehot, py, 0.0), axis=1, keepdims=True)
        lz = jnp.sum(jnp.where(onehot, pz, 0.0), axis=1, keepdims=True)
        put = iota_m == i
        ox = jnp.where(put, lx, ox)
        oy = jnp.where(put, ly, oy)
        oz = jnp.where(put, lz, oz)
        return (mind, lx, ly, lz, ox, oy, oz)

    carry = (mind0, lx0, ly0, lz0, ox0, oy0, oz0)
    carry = jax.lax.fori_loop(1, M, body, carry)
    _, _, _, _, ox, oy, oz = carry
    ox_ref[...] = ox; oy_ref[...] = oy; oz_ref[...] = oz


def _fps_pallas(p):
    px, py, pz = p[:, :, 0], p[:, :, 1], p[:, :, 2]
    ox, oy, oz = pl.pallas_call(
        _fps_kernel,
        out_shape=(jax.ShapeDtypeStruct((B, M), f32),
                   jax.ShapeDtypeStruct((B, M), f32),
                   jax.ShapeDtypeStruct((B, M), f32)),
    )(px, py, pz)
    return jnp.stack([ox, oy, oz], axis=-1)


def kernel(pc, feature, coarse, W1, b1, W2, b2, Wr1, br1, Wr2, br2, Wr3, br3):
    local_feature = _lf_pallas(coarse)

    gf = jnp.max(feature, axis=1)
    gf = jax.nn.gelu(gf @ W1 + b1) @ W2 + b2
    eg = jnp.broadcast_to(gf[:, None, :], (B, N, gf.shape[-1]))
    cf = jnp.concatenate([eg, coarse, local_feature], axis=-1)
    h = jax.nn.gelu(cf @ Wr1 + br1)
    h = jax.nn.gelu(h @ Wr2 + br2)
    confidence_score = jax.nn.sigmoid(h @ Wr3 + br3)

    idx = jnp.argsort(-confidence_score, axis=1)
    top = jnp.broadcast_to(idx[:, :NKEEP], (B, NKEEP, 3))
    coarse_best = jnp.take_along_axis(coarse, top, axis=1)

    coarse_inp = _fps_pallas(pc)

    coarse_final = jnp.concatenate([coarse_best, coarse_inp], axis=1)
    return (coarse, confidence_score, coarse_final)

# --- scband reference (transcript-rebuilt; emitter-appended) ---
"""Pipeline reference for scband-egiinet-27616639713711 (READ-ONLY COPY).

The authoritative reference and input builder live on the scoring server;
editing this copy changes nothing except your own understanding.
"""

import jax, jax.numpy as jnp
import numpy as np


def knn(x, k):
    # x: (B, D, N)
    inner = -2.0 * jnp.einsum('bdn,bdm->bnm', x, x)
    xx = jnp.sum(x ** 2, axis=1, keepdims=True)  # (B, 1, N)
    pairwise_distance = -xx - inner - jnp.swapaxes(xx, 1, 2)
    idx = jax.lax.top_k(pairwise_distance, k)[1]  # (B, N, k)
    return idx


def furthest_point_sample(pc, m):
    # pc: (B, N, 3) -> (B, m) int32 indices
    def fps_single(pts):
        N = pts.shape[0]
        idxs0 = jnp.zeros((m,), dtype=jnp.int32)
        mind0 = jnp.full((N,), 1e10, dtype=pts.dtype)

        def body(i, carry):
            mind, idxs = carry
            last_pt = pts[idxs[i - 1]]
            d = jnp.sum((pts - last_pt[None, :]) ** 2, axis=-1)
            mind = jnp.minimum(mind, d)
            nxt = jnp.argmax(mind).astype(jnp.int32)
            idxs = idxs.at[i].set(nxt)
            return (mind, idxs)

        mind, idxs = jax.lax.fori_loop(1, m, body, (mind0, idxs0))
        return idxs

    return jax.vmap(fps_single)(pc)


def setup_inputs(seed: int = 0):
    key = jax.random.key(seed)
    ks = jax.random.split(key, 16)
    B, N = 16, 2048
    feat_dim, gdim = 192, 1024
    rank_in = gdim + 3 + 3
    inp = {}
    inp['pc'] = jax.random.normal(ks[0], (B, N, 3), dtype=jnp.float32)
    inp['feature'] = jax.random.normal(ks[1], (B, N, feat_dim), dtype=jnp.float32)
    inp['coarse'] = jax.random.normal(ks[2], (B, N, 3), dtype=jnp.float32)
    inp['W1'] = jax.random.normal(ks[3], (feat_dim, 1024), dtype=jnp.float32) * 0.02
    inp['b1'] = jnp.zeros((1024,), dtype=jnp.float32)
    inp['W2'] = jax.random.normal(ks[4], (1024, gdim), dtype=jnp.float32) * 0.02
    inp['b2'] = jnp.zeros((gdim,), dtype=jnp.float32)
    inp['Wr1'] = jax.random.normal(ks[5], (rank_in, 512), dtype=jnp.float32) * 0.02
    inp['br1'] = jnp.zeros((512,), dtype=jnp.float32)
    inp['Wr2'] = jax.random.normal(ks[6], (512, 256), dtype=jnp.float32) * 0.02
    inp['br2'] = jnp.zeros((256,), dtype=jnp.float32)
    inp['Wr3'] = jax.random.normal(ks[7], (256, 1), dtype=jnp.float32) * 0.02
    inp['br3'] = jnp.zeros((1,), dtype=jnp.float32)
    return inp


def reference(pc, feature, coarse, W1, b1, W2, b2, Wr1, br1, Wr2, br2, Wr3, br3):
    B, N, D = coarse.shape
    num_query = 2048
    local_context_k = 16
    # global feature: max-pool over points, then increase_dim MLP
    global_feature = jnp.max(feature, axis=1)  # (B, 192)
    global_feature = jax.nn.gelu(global_feature @ W1 + b1) @ W2 + b2  # (B, 1024)
    # knn local context on coarse points
    neighbor_idx = knn(jnp.swapaxes(coarse, 1, 2), local_context_k)  # (B, N, k)
    neighbors = jax.vmap(lambda c, i: c[i])(coarse, neighbor_idx)  # (B, N, k, 3)
    relative_neighbors = neighbors - coarse[:, :, None, :]
    local_feature = jnp.max(relative_neighbors, axis=2)  # (B, N, 3)
    expanded_global = jnp.broadcast_to(global_feature[:, None, :], (B, N, global_feature.shape[-1]))
    coarse_feat = jnp.concatenate([expanded_global, coarse, local_feature], axis=-1)
    # ranking MLP
    h = jax.nn.gelu(coarse_feat @ Wr1 + br1)
    h = jax.nn.gelu(h @ Wr2 + br2)
    confidence_score = jax.nn.sigmoid(h @ Wr3 + br3)  # (B, N, 1)
    # sort by confidence descending, keep best generated points
    idx = jnp.argsort(-confidence_score, axis=1)  # (B, N, 1)
    num_to_keep_generated = num_query - num_query // 4  # 1536
    top_idx = jnp.broadcast_to(idx[:, :num_to_keep_generated], (B, num_to_keep_generated, 3))
    coarse_best = jnp.take_along_axis(coarse, top_idx, axis=1)
    # FPS on input cloud for remaining points
    num_to_keep_input = num_query // 4  # 512
    fidx = furthest_point_sample(pc, num_to_keep_input)  # (B, 512)
    inp_idx = jnp.broadcast_to(fidx[:, :, None], (B, num_to_keep_input, 3)).astype(jnp.int32)
    coarse_inp = jnp.take_along_axis(pc, inp_idx, axis=1)
    coarse_final = jnp.concatenate([coarse_best, coarse_inp], axis=1)  # (B, 2048, 3)
    return (coarse, confidence_score, coarse_final)

if __name__ == "__main__":
    import jax
    _d = setup_inputs()
    print(jax.jit(kernel)(*tuple(_d.values())))

</pallas_src>

<mosaic_0001>
module attributes {stable_mosaic.version = 14 : i64} {
  func.func @_lf_kernel(%arg0: i32, %arg1: i32, %arg2: memref<1x256x3xf32, #tpu.memory_space<vmem>>, %arg3: memref<1x3x2048xf32, #tpu.memory_space<vmem>>, %arg4: memref<1x256x1xf32, #tpu.memory_space<vmem>>, %arg5: memref<1x1x2048xf32, #tpu.memory_space<vmem>>, %arg6: memref<1x256x3xf32, #tpu.memory_space<vmem>>) attributes {dimension_semantics = [#tpu.dimension_semantics<arbitrary>, #tpu.dimension_semantics<arbitrary>], iteration_bounds = array<i64: 16, 8>, scalar_prefetch = 0 : i64, scratch_operands = 0 : i64, tpu.core_type = #tpu.core_type<tc>, window_params = [{transform_indices = @transform_0, window_bounds = array<i64: 1, 256, 3>}, {transform_indices = @transform_1, window_bounds = array<i64: 1, 3, 2048>}, {transform_indices = @transform_2, window_bounds = array<i64: 1, 256, 1>}, {transform_indices = @transform_3, window_bounds = array<i64: 1, 1, 2048>}, {transform_indices = @transform_4, window_bounds = array<i64: 1, 256, 3>}]} {
    %get3A = arith.constant 0 : index
    %get3A_0 = arith.constant 0 : index
    %get3A_1 = arith.constant 0 : index
    %get3A_2 = vector.load %arg2[%get3A, %get3A_0, %get3A_1] : memref<1x256x3xf32, #tpu.memory_space<vmem>>, vector<1x256x3xf32>
    %get3A_3 = vector.shape_cast %get3A_2 : vector<1x256x3xf32> to vector<256x3xf32>
    %get3A_4 = arith.constant 0 : index
    %get3A_5 = arith.constant 0 : index
    %get3A_6 = arith.constant 0 : index
    %get3A_7 = vector.load %arg3[%get3A_4, %get3A_5, %get3A_6] : memref<1x3x2048xf32, #tpu.memory_space<vmem>>, vector<1x3x2048xf32>
    %get3A_8 = vector.shape_cast %get3A_7 : vector<1x3x2048xf32> to vector<3x2048xf32>
    %convert_element_type3A = arith.truncf %get3A_3 : vector<256x3xf32> to vector<256x3xbf16>
    %convert_element_type3A_9 = arith.extf %convert_element_type3A : vector<256x3xbf16> to vector<256x3xf32>
    %convert_element_type3A_10 = arith.truncf %get3A_8 : vector<3x2048xf32> to vector<3x2048xbf16>
    %convert_element_type3A_11 = arith.extf %convert_element_type3A_10 : vector<3x2048xbf16> to vector<3x2048xf32>
    %dot_general3A = arith.constant dense<0.000000e+00> : vector<256x2048xf32>
    %dot_general3A_12 = tpu.matmul %convert_element_type3A_9, %convert_element_type3A_11, %dot_general3A {dimension_numbers = #tpu.dot_dimension_numbers<[1], [0], [0], [1], [0, 0, 1, 1], [], []>, transpose_lhs_hint = false} : vector<256x3xf32>, vector<3x2048xf32>, vector<256x2048xf32> -> vector<256x2048xf32>
    %get3A_13 = arith.constant 0 : index
    %get3A_14 = arith.constant 0 : index
    %get3A_15 = arith.constant 0 : index
    %get3A_16 = vector.load %arg5[%get3A_13, %get3A_14, %get3A_15] : memref<1x1x2048xf32, #tpu.memory_space<vmem>>, vector<1x1x2048xf32>
    %get3A_17 = vector.shape_cast %get3A_16 : vector<1x1x2048xf32> to vector<1x2048xf32>
    %neg3A = arith.constant 0.000000e+00 : f32
    %neg3A_18 = vector.broadcast %neg3A : f32 to vector<1x2048xf32>
    %neg3A_19 = arith.subf %neg3A_18, %get3A_17 : vector<1x2048xf32>
    %mul3A = arith.constant 2.000000e+00 : f32
    %mul3A_20 = vector.broadcast %mul3A : f32 to vector<256x2048xf32>
    %mul3A_21 = arith.mulf %mul3A_20, %dot_general3A_12 : vector<256x2048xf32>
    %add3A = vector.broadcast %neg3A_19 : vector<1x2048xf32> to vector<256x2048xf32>
    %add3A_22 = arith.addf %add3A, %mul3A_21 : vector<256x2048xf32>
    %get3A_23 = arith.constant 0 : index
    %get3A_24 = arith.constant 0 : index
    %get3A_25 = arith.constant 0 : index
    %get3A_26 = vector.load %arg4[%get3A_23, %get3A_24, %get3A_25] : memref<1x256x1xf32, #tpu.memory_space<vmem>>, vector<1x256x1xf32>
    %get3A_27 = vector.shape_cast %get3A_26 : vector<1x256x1xf32> to vector<256x1xf32>
    %sub3A = vector.broadcast %get3A_27 : vector<256x1xf32> to vector<256x2048xf32>
    %sub3A_28 = arith.subf %add3A_22, %sub3A : vector<256x2048xf32>
    %bitcast_convert_type3A = tpu.bitcast %sub3A_28 : vector<256x2048xf32> -> vector<256x2048xi32>
    %lt3A = arith.constant 0 : i32
    %lt3A_29 = vector.broadcast %lt3A : i32 to vector<256x2048xi32>
    %lt3A_30 = arith.cmpi slt, %bitcast_convert_type3A, %lt3A_29 : vector<256x2048xi32>
    %xor3A = arith.constant 2147483647 : i32
    %xor3A_31 = vector.broadcast %xor3A : i32 to vector<256x2048xi32>
    %xor3A_32 = arith.xori %xor3A_31, %bitcast_convert_type3A : vector<256x2048xi32>
    %select_n3A = arith.select %lt3A_30, %xor3A_32, %bitcast_convert_type3A : vector<256x2048xi1>, vector<256x2048xi32>
    %iota3A = tpu.iota {dimensions = array<i32: 1>} : vector<256x2048xi32>
    %slice3A = vector.extract_strided_slice %get3A_8 {offsets = [0, 0], sizes = [1, 2048], strides = [1, 1]} : vector<3x2048xf32> to vector<1x2048xf32>
    %slice3A_33 = vector.extract_strided_slice %get3A_8 {offsets = [1, 0], sizes = [1, 2048], strides = [1, 1]} : vector<3x2048xf32> to vector<1x2048xf32>
    %slice3A_34 = vector.extract_strided_slice %get3A_8 {offsets = [2, 0], sizes = [1, 2048], strides = [1, 1]} : vector<3x2048xf32> to vector<1x2048xf32>
    %slice3A_35 = vector.extract_strided_slice %get3A_3 {offsets = [0, 0], sizes = [256, 1], strides = [1, 1]} : vector<256x3xf32> to vector<256x1xf32>
    %slice3A_36 = vector.extract_strided_slice %get3A_3 {offsets = [0, 1], sizes = [256, 1], strides = [1, 1]} : vector<256x3xf32> to vector<256x1xf32>
    %slice3A_37 = vector.extract_strided_slice %get3A_3 {offsets = [0, 2], sizes = [256, 1], strides = [1, 1]} : vector<256x3xf32> to vector<256x1xf32>
    %broadcast_in_dim3A = arith.constant 0.000000e+00 : f32
    %broadcast_in_dim3A_38 = vector.broadcast %broadcast_in_dim3A : f32 to vector<256x2048xf32>
    %scan3A = arith.constant 0 : i32
    %scan3A_39 = arith.constant 16 : i32
    %scan3A_40 = arith.addi %scan3A, %scan3A_39 : i32
    %scan3A_41 = arith.constant 1 : i32
    %scan3A_42:2 = scf.for %scan3A_75 = %scan3A to %scan3A_40 step %scan3A_41 iter_args(%scan3A_76 = %select_n3A, %scan3A_77 = %broadcast_in_dim3A_38) -> (vector<256x2048xi32>, vector<256x2048xf32>)  : i32 {
      %reduce_max3A_78 = arith.constant dense<-2147483648> : vector<256xi32>
      %reduce_max3A_79 = vector.multi_reduction <maxsi>, %scan3A_76, %reduce_max3A_78 [1] : vector<256x2048xi32> to vector<256xi32>
      %broadcast_in_dim3A_80 = vector.shape_cast %reduce_max3A_79 : vector<256xi32> to vector<256x1xi32>
      %eq3A = vector.broadcast %broadcast_in_dim3A_80 : vector<256x1xi32> to vector<256x2048xi32>
      %eq3A_81 = arith.cmpi eq, %scan3A_76, %eq3A : vector<256x2048xi32>
      %jit3A_82 = arith.constant 2048 : i32
      %broadcast_in_dim3A_83 = vector.broadcast %jit3A_82 : i32 to vector<256x2048xi32>
      %select_n3A_84 = arith.select %eq3A_81, %iota3A, %broadcast_in_dim3A_83 : vector<256x2048xi1>, vector<256x2048xi32>
      %reduce_min3A = arith.constant dense<2147483647> : vector<256xi32>
      %reduce_min3A_85 = vector.multi_reduction <minsi>, %select_n3A_84, %reduce_min3A [1] : vector<256x2048xi32> to vector<256xi32>
      %broadcast_in_dim3A_86 = vector.shape_cast %reduce_min3A_85 : vector<256xi32> to vector<256x1xi32>
      %eq3A_87 = vector.broadcast %broadcast_in_dim3A_86 : vector<256x1xi32> to vector<256x2048xi32>
      %eq3A_88 = arith.cmpi eq, %iota3A, %eq3A_87 : vector<256x2048xi32>
      %jit3A_89 = arith.constant 1.000000e+00 : f32
      %broadcast_in_dim3A_90 = vector.broadcast %jit3A_89 : f32 to vector<256x2048xf32>
      %select_n3A_91 = arith.select %eq3A_88, %broadcast_in_dim3A_90, %scan3A_77 : vector<256x2048xi1>, vector<256x2048xf32>
      %jit3A_92 = arith.constant -2147483648 : i32
      %broadcast_in_dim3A_93 = vector.broadcast %jit3A_92 : i32 to vector<256x2048xi32>
      %select_n3A_94 = arith.select %eq3A_88, %broadcast_in_dim3A_93, %scan3A_76 : vector<256x2048xi1>, vector<256x2048xi32>
      scf.yield %select_n3A_94, %select_n3A_91 : vector<256x2048xi32>, vector<256x2048xf32>
    }
    %gt3A = arith.constant 0.000000e+00 : f32
    %gt3A_43 = vector.broadcast %gt3A : f32 to vector<256x2048xf32>
    %gt3A_44 = arith.cmpf ogt, %scan3A_42#1, %gt3A_43 : vector<256x2048xf32>
    %sub3A_45 = vector.broadcast %slice3A : vector<1x2048xf32> to vector<256x2048xf32>
    %sub3A_46 = vector.broadcast %slice3A_35 : vector<256x1xf32> to vector<256x2048xf32>
    %sub3A_47 = arith.subf %sub3A_45, %sub3A_46 : vector<256x2048xf32>
    %jit3A = arith.constant -3.400000e+38 : f32
    %broadcast_in_dim3A_48 = vector.broadcast %jit3A : f32 to vector<256x2048xf32>
    %select_n3A_49 = arith.select %gt3A_44, %sub3A_47, %broadcast_in_dim3A_48 : vector<256x2048xi1>, vector<256x2048xf32>
    %reduce_max3A = arith.constant dense<0xFF800000> : vector<256xf32>
    %reduce_max3A_50 = vector.multi_reduction <maximumf>, %select_n3A_49, %reduce_max3A [1] : vector<256x2048xf32> to vector<256xf32>
    %broadcast_in_dim3A_51 = vector.shape_cast %reduce_max3A_50 : vector<256xf32> to vector<256x1xf32>
    %sub3A_52 = vector.broadcast %slice3A_33 : vector<1x2048xf32> to vector<256x2048xf32>
    %sub3A_53 = vector.broadcast %slice3A_36 : vector<256x1xf32> to vector<256x2048xf32>
    %sub3A_54 = arith.subf %sub3A_52, %sub3A_53 : vector<256x2048xf32>
    %jit3A_55 = arith.constant -3.400000e+38 : f32
    %broadcast_in_dim3A_56 = vector.broadcast %jit3A_55 : f32 to vector<256x2048xf32>
    %select_n3A_57 = arith.select %gt3A_44, %sub3A_54, %broadcast_in_dim3A_56 : vector<256x2048xi1>, vector<256x2048xf32>
    %reduce_max3A_58 = arith.constant dense<0xFF800000> : vector<256xf32>
    %reduce_max3A_59 = vector.multi_reduction <maximumf>, %select_n3A_57, %reduce_max3A_58 [1] : vector<256x2048xf32> to vector<256xf32>
    %broadcast_in_dim3A_60 = vector.shape_cast %reduce_max3A_59 : vector<256xf32> to vector<256x1xf32>
    %sub3A_61 = vector.broadcast %slice3A_34 : vector<1x2048xf32> to vector<256x2048xf32>
    %sub3A_62 = vector.broadcast %slice3A_37 : vector<256x1xf32> to vector<256x2048xf32>
    %sub3A_63 = arith.subf %sub3A_61, %sub3A_62 : vector<256x2048xf32>
    %jit3A_64 = arith.constant -3.400000e+38 : f32
    %broadcast_in_dim3A_65 = vector.broadcast %jit3A_64 : f32 to vector<256x2048xf32>
    %select_n3A_66 = arith.select %gt3A_44, %sub3A_63, %broadcast_in_dim3A_65 : vector<256x2048xi1>, vector<256x2048xf32>
    %reduce_max3A_67 = arith.constant dense<0xFF800000> : vector<256xf32>
    %reduce_max3A_68 = vector.multi_reduction <maximumf>, %select_n3A_66, %reduce_max3A_67 [1] : vector<256x2048xf32> to vector<256xf32>
    %broadcast_in_dim3A_69 = vector.shape_cast %reduce_max3A_68 : vector<256xf32> to vector<256x1xf32>
    %concatenate3A = tpu.concatenate %broadcast_in_dim3A_51, %broadcast_in_dim3A_60, %broadcast_in_dim3A_69 in 1 : vector<256x1xf32>, vector<256x1xf32>, vector<256x1xf32> -> vector<256x3xf32>
    %swap3A = arith.constant 0 : index
    %swap3A_70 = arith.constant 0 : index
    %swap3A_71 = arith.constant 0 : index
    %swap3A_72 = vector.load %arg6[%swap3A, %swap3A_70, %swap3A_71] : memref<1x256x3xf32, #tpu.memory_space<vmem>>, vector<1x256x3xf32>
    %swap3A_73 = vector.shape_cast %swap3A_72 : vector<1x256x3xf32> to vector<256x3xf32>
    %swap3A_74 = vector.shape_cast %concatenate3A : vector<256x3xf32> to vector<1x256x3xf32>
    tpu.vector_store %arg6[%swap3A, %swap3A_70, %swap3A_71], %swap3A_74 {strides = array<i32>} : memref<1x256x3xf32, #tpu.memory_space<vmem>>, vector<1x256x3xf32>,
    return
  }
  func.func @transform_0(%arg0: i32, %arg1: i32) -> (i32, i32, i32) {
    %c0_i32 = arith.constant 0 : i32
    %c0_i32_0 = arith.constant 0 : i32
    return %arg0, %arg1, %c0_i32 : i32, i32, i32
  }
  func.func @transform_1(%arg0: i32, %arg1: i32) -> (i32, i32, i32) {
    %c0_i32 = arith.constant 0 : i32
    %c0_i32_0 = arith.constant 0 : i32
    %c0_i32_1 = arith.constant 0 : i32
    return %arg0, %c0_i32, %c0_i32_0 : i32, i32, i32
  }
  func.func @transform_2(%arg0: i32, %arg1: i32) -> (i32, i32, i32) {
    %c0_i32 = arith.constant 0 : i32
    %c0_i32_0 = arith.constant 0 : i32
    return %arg0, %arg1, %c0_i32 : i32, i32, i32
  }
  func.func @transform_3(%arg0: i32, %arg1: i32) -> (i32, i32, i32) {
    %c0_i32 = arith.constant 0 : i32
    %c0_i32_0 = arith.constant 0 : i32
    %c0_i32_1 = arith.constant 0 : i32
    return %arg0, %c0_i32, %c0_i32_0 : i32, i32, i32
  }
  func.func @transform_4(%arg0: i32, %arg1: i32) -> (i32, i32, i32) {
    %c0_i32 = arith.constant 0 : i32
    %c0_i32_0 = arith.constant 0 : i32
    return %arg0, %arg1, %c0_i32 : i32, i32, i32
  }
}

module attributes {stable_mosaic.version = 14 : i64} {
  func.func @_fps_kernel(%arg0: memref<16x2048xf32, #tpu.memory_space<vmem>>, %arg1: memref<16x2048xf32, #tpu.memory_space<vmem>>, %arg2: memref<16x2048xf32, #tpu.memory_space<vmem>>, %arg3: memref<16x512xf32, #tpu.memory_space<vmem>>, %arg4: memref<16x512xf32, #tpu.memory_space<vmem>>, %arg5: memref<16x512xf32, #tpu.memory_space<vmem>>) attributes {dimension_semantics = [], scalar_prefetch = 0 : i64, scratch_operands = 0 : i64, tpu.core_type = #tpu.core_type<tc>} {
    %get3A = arith.constant 0 : index
    %get3A_0 = arith.constant 0 : index
    %get3A_1 = vector.load %arg0[%get3A, %get3A_0] : memref<16x2048xf32, #tpu.memory_space<vmem>>, vector<16x2048xf32>
    %get3A_2 = arith.constant 0 : index
    %get3A_3 = arith.constant 0 : index
    %get3A_4 = vector.load %arg1[%get3A_2, %get3A_3] : memref<16x2048xf32, #tpu.memory_space<vmem>>, vector<16x2048xf32>
    %get3A_5 = arith.constant 0 : index
    %get3A_6 = arith.constant 0 : index
    %get3A_7 = vector.load %arg2[%get3A_5, %get3A_6] : memref<16x2048xf32, #tpu.memory_space<vmem>>, vector<16x2048xf32>
    %iota3A = tpu.iota {dimensions = array<i32: 1>} : vector<16x2048xi32>
    %iota3A_8 = tpu.iota {dimensions = array<i32: 1>} : vector<16x512xi32>
    %broadcast_in_dim3A = arith.constant 1.000000e+10 : f32
    %broadcast_in_dim3A_9 = vector.broadcast %broadcast_in_dim3A : f32 to vector<16x2048xf32>
    %slice3A = vector.extract_strided_slice %get3A_1 {offsets = [0, 0], sizes = [16, 1], strides = [1, 1]} : vector<16x2048xf32> to vector<16x1xf32>
    %slice3A_10 = vector.extract_strided_slice %get3A_4 {offsets = [0, 0], sizes = [16, 1], strides = [1, 1]} : vector<16x2048xf32> to vector<16x1xf32>
    %slice3A_11 = vector.extract_strided_slice %get3A_7 {offsets = [0, 0], sizes = [16, 1], strides = [1, 1]} : vector<16x2048xf32> to vector<16x1xf32>
    %eq3A = arith.constant 0 : i32
    %eq3A_12 = vector.broadcast %eq3A : i32 to vector<16x512xi32>
    %eq3A_13 = arith.cmpi eq, %iota3A_8, %eq3A_12 : vector<16x512xi32>
    %jit3A = arith.constant 0.000000e+00 : f32
    %broadcast_in_dim3A_14 = vector.shape_cast %slice3A : vector<16x1xf32> to vector<16x1xf32>
    %broadcast_in_dim3A_15 = vector.broadcast %broadcast_in_dim3A_14 : vector<16x1xf32> to vector<16x512xf32>
    %broadcast_in_dim3A_16 = vector.broadcast %jit3A : f32 to vector<16x512xf32>
    %select_n3A = arith.select %eq3A_13, %broadcast_in_dim3A_15, %broadcast_in_dim3A_16 : vector<16x512xi1>, vector<16x512xf32>
    %eq3A_17 = arith.constant 0 : i32
    %eq3A_18 = vector.broadcast %eq3A_17 : i32 to vector<16x512xi32>
    %eq3A_19 = arith.cmpi eq, %iota3A_8, %eq3A_18 : vector<16x512xi32>
    %jit3A_20 = arith.constant 0.000000e+00 : f32
    %broadcast_in_dim3A_21 = vector.shape_cast %slice3A_10 : vector<16x1xf32> to vector<16x1xf32>
    %broadcast_in_dim3A_22 = vector.broadcast %broadcast_in_dim3A_21 : vector<16x1xf32> to vector<16x512xf32>
    %broadcast_in_dim3A_23 = vector.broadcast %jit3A_20 : f32 to vector<16x512xf32>
    %select_n3A_24 = arith.select %eq3A_19, %broadcast_in_dim3A_22, %broadcast_in_dim3A_23 : vector<16x512xi1>, vector<16x512xf32>
    %eq3A_25 = arith.constant 0 : i32
    %eq3A_26 = vector.broadcast %eq3A_25 : i32 to vector<16x512xi32>
    %eq3A_27 = arith.cmpi eq, %iota3A_8, %eq3A_26 : vector<16x512xi32>
    %jit3A_28 = arith.constant 0.000000e+00 : f32
    %broadcast_in_dim3A_29 = vector.shape_cast %slice3A_11 : vector<16x1xf32> to vector<16x1xf32>
    %broadcast_in_dim3A_30 = vector.broadcast %broadcast_in_dim3A_29 : vector<16x1xf32> to vector<16x512xf32>
    %broadcast_in_dim3A_31 = vector.broadcast %jit3A_28 : f32 to vector<16x512xf32>
    %select_n3A_32 = arith.select %eq3A_27, %broadcast_in_dim3A_30, %broadcast_in_dim3A_31 : vector<16x512xi1>, vector<16x512xf32>
    %scan3A = arith.constant 1 : i32
    %scan3A_33 = arith.constant 511 : i32
    %scan3A_34 = arith.addi %scan3A, %scan3A_33 : i32
    %scan3A_35 = arith.constant 1 : i32
    %scan3A_36:7 = scf.for %scan3A_46 = %scan3A to %scan3A_34 step %scan3A_35 iter_args(%scan3A_47 = %broadcast_in_dim3A_9, %scan3A_48 = %slice3A, %scan3A_49 = %slice3A_10, %scan3A_50 = %slice3A_11, %scan3A_51 = %select_n3A, %scan3A_52 = %select_n3A_24, %scan3A_53 = %select_n3A_32) -> (vector<16x2048xf32>, vector<16x1xf32>, vector<16x1xf32>, vector<16x1xf32>, vector<16x512xf32>, vector<16x512xf32>, vector<16x512xf32>)  : i32 {
      %sub3A = vector.broadcast %scan3A_48 : vector<16x1xf32> to vector<16x2048xf32>
      %sub3A_54 = arith.subf %get3A_1, %sub3A : vector<16x2048xf32>
      %sub3A_55 = vector.broadcast %scan3A_49 : vector<16x1xf32> to vector<16x2048xf32>
      %sub3A_56 = arith.subf %get3A_4, %sub3A_55 : vector<16x2048xf32>
      %sub3A_57 = vector.broadcast %scan3A_50 : vector<16x1xf32> to vector<16x2048xf32>
      %sub3A_58 = arith.subf %get3A_7, %sub3A_57 : vector<16x2048xf32>
      %mul3A = arith.mulf %sub3A_54, %sub3A_54 : vector<16x2048xf32>
      %mul3A_59 = arith.mulf %sub3A_56, %sub3A_56 : vector<16x2048xf32>
      %add3A = arith.addf %mul3A, %mul3A_59 : vector<16x2048xf32>
      %mul3A_60 = arith.mulf %sub3A_58, %sub3A_58 : vector<16x2048xf32>
      %add3A_61 = arith.addf %add3A, %mul3A_60 : vector<16x2048xf32>
      %min3A = arith.minimumf %scan3A_47, %add3A_61 : vector<16x2048xf32>
      %reduce_max3A = arith.constant dense<0xFF800000> : vector<16xf32>
      %reduce_max3A_62 = vector.multi_reduction <maximumf>, %min3A, %reduce_max3A [1] : vector<16x2048xf32> to vector<16xf32>
      %broadcast_in_dim3A_63 = vector.shape_cast %reduce_max3A_62 : vector<16xf32> to vector<16x1xf32>
      %eq3A_64 = vector.broadcast %broadcast_in_dim3A_63 : vector<16x1xf32> to vector<16x2048xf32>
      %eq3A_65 = arith.cmpf oeq, %min3A, %eq3A_64 : vector<16x2048xf32>
      %jit3A_66 = arith.constant 2048 : i32
      %broadcast_in_dim3A_67 = vector.broadcast %jit3A_66 : i32 to vector<16x2048xi32>
      %select_n3A_68 = arith.select %eq3A_65, %iota3A, %broadcast_in_dim3A_67 : vector<16x2048xi1>, vector<16x2048xi32>
      %reduce_min3A = arith.constant dense<2147483647> : vector<16xi32>
      %reduce_min3A_69 = vector.multi_reduction <minsi>, %select_n3A_68, %reduce_min3A [1] : vector<16x2048xi32> to vector<16xi32>
      %broadcast_in_dim3A_70 = vector.shape_cast %reduce_min3A_69 : vector<16xi32> to vector<16x1xi32>
      %eq3A_71 = vector.broadcast %broadcast_in_dim3A_70 : vector<16x1xi32> to vector<16x2048xi32>
      %eq3A_72 = arith.cmpi eq, %iota3A, %eq3A_71 : vector<16x2048xi32>
      %jit3A_73 = arith.constant 0.000000e+00 : f32
      %broadcast_in_dim3A_74 = vector.broadcast %jit3A_73 : f32 to vector<16x2048xf32>
      %select_n3A_75 = arith.select %eq3A_72, %get3A_1, %broadcast_in_dim3A_74 : vector<16x2048xi1>, vector<16x2048xf32>
      %reduce_sum3A = arith.constant dense<0.000000e+00> : vector<16xf32>
      %reduce_sum3A_76 = vector.multi_reduction <add>, %select_n3A_75, %reduce_sum3A [1] : vector<16x2048xf32> to vector<16xf32>
      %broadcast_in_dim3A_77 = vector.shape_cast %reduce_sum3A_76 : vector<16xf32> to vector<16x1xf32>
      %jit3A_78 = arith.constant 0.000000e+00 : f32
      %broadcast_in_dim3A_79 = vector.broadcast %jit3A_78 : f32 to vector<16x2048xf32>
      %select_n3A_80 = arith.select %eq3A_72, %get3A_4, %broadcast_in_dim3A_79 : vector<16x2048xi1>, vector<16x2048xf32>
      %reduce_sum3A_81 = arith.constant dense<0.000000e+00> : vector<16xf32>
      %reduce_sum3A_82 = vector.multi_reduction <add>, %select_n3A_80, %reduce_sum3A_81 [1] : vector<16x2048xf32> to vector<16xf32>
      %broadcast_in_dim3A_83 = vector.shape_cast %reduce_sum3A_82 : vector<16xf32> to vector<16x1xf32>
      %jit3A_84 = arith.constant 0.000000e+00 : f32
      %broadcast_in_dim3A_85 = vector.broadcast %jit3A_84 : f32 to vector<16x2048xf32>
      %select_n3A_86 = arith.select %eq3A_72, %get3A_7, %broadcast_in_dim3A_85 : vector<16x2048xi1>, vector<16x2048xf32>
      %reduce_sum3A_87 = arith.constant dense<0.000000e+00> : vector<16xf32>
      %reduce_sum3A_88 = vector.multi_reduction <add>, %select_n3A_86, %reduce_sum3A_87 [1] : vector<16x2048xf32> to vector<16xf32>
      %broadcast_in_dim3A_89 = vector.shape_cast %reduce_sum3A_88 : vector<16xf32> to vector<16x1xf32>
      %eq3A_90 = vector.broadcast %scan3A_46 : i32 to vector<16x512xi32>
      %eq3A_91 = arith.cmpi eq, %iota3A_8, %eq3A_90 : vector<16x512xi32>
      %broadcast_in_dim3A_92 = vector.shape_cast %broadcast_in_dim3A_77 : vector<16x1xf32> to vector<16x1xf32>
      %broadcast_in_dim3A_93 = vector.broadcast %broadcast_in_dim3A_92 : vector<16x1xf32> to vector<16x512xf32>
      %select_n3A_94 = arith.select %eq3A_91, %broadcast_in_dim3A_93, %scan3A_51 : vector<16x512xi1>, vector<16x512xf32>
      %broadcast_in_dim3A_95 = vector.shape_cast %broadcast_in_dim3A_83 : vector<16x1xf32> to vector<16x1xf32>
      %broadcast_in_dim3A_96 = vector.broadcast %broadcast_in_dim3A_95 : vector<16x1xf32> to vector<16x512xf32>
      %select_n3A_97 = arith.select %eq3A_91, %broadcast_in_dim3A_96, %scan3A_52 : vector<16x512xi1>, vector<16x512xf32>
      %broadcast_in_dim3A_98 = vector.shape_cast %broadcast_in_dim3A_89 : vector<16x1xf32> to vector<16x1xf32>
      %broadcast_in_dim3A_99 = vector.broadcast %broadcast_in_dim3A_98 : vector<16x1xf32> to vector<16x512xf32>
      %select_n3A_100 = arith.select %eq3A_91, %broadcast_in_dim3A_99, %scan3A_53 : vector<16x512xi1>, vector<16x512xf32>
      scf.yield %min3A, %broadcast_in_dim3A_77, %broadcast_in_dim3A_83, %broadcast_in_dim3A_89, %select_n3A_94, %select_n3A_97, %select_n3A_100 : vector<16x2048xf32>, vector<16x1xf32>, vector<16x1xf32>, vector<16x1xf32>, vector<16x512xf32>, vector<16x512xf32>, vector<16x512xf32>
    }
    %scan3A_37 = arith.constant 511 : i32
    %swap3A = arith.constant 0 : index
    %swap3A_38 = arith.constant 0 : index
    %swap3A_39 = vector.load %arg3[%swap3A, %swap3A_38] : memref<16x512xf32, #tpu.memory_space<vmem>>, vector<16x512xf32>
    tpu.vector_store %arg3[%swap3A, %swap3A_38], %scan3A_36#4 {strides = array<i32>} : memref<16x512xf32, #tpu.memory_space<vmem>>, vector<16x512xf32>,
    %swap3A_40 = arith.constant 0 : index
    %swap3A_41 = arith.constant 0 : index
    %swap3A_42 = vector.load %arg4[%swap3A_40, %swap3A_41] : memref<16x512xf32, #tpu.memory_space<vmem>>, vector<16x512xf32>
    tpu.vector_store %arg4[%swap3A_40, %swap3A_41], %scan3A_36#5 {strides = array<i32>} : memref<16x512xf32, #tpu.memory_space<vmem>>, vector<16x512xf32>,
    %swap3A_43 = arith.constant 0 : index
    %swap3A_44 = arith.constant 0 : index
    %swap3A_45 = vector.load %arg5[%swap3A_43, %swap3A_44] : memref<16x512xf32, #tpu.memory_space<vmem>>, vector<16x512xf32>
    tpu.vector_store %arg5[%swap3A_43, %swap3A_44], %scan3A_36#6 {strides = array<i32>} : memref<16x512xf32, #tpu.memory_space<vmem>>, vector<16x512xf32>,
    return
  }
}

</mosaic_0001>

<sc_bundles>
// kernel: gather_offload_async_start
scs
__scs_entry_jumppad:
0x0: {  	(pc) =	sbr.rel $0x88, $3  }
0x1: {  	(tag) =	ssettag $0x0;
	lr =	simm.s32 $0x1  }
0x2: {  	[smem:$0x3F94] =	sst lr;
	_ =	strace $0xD0000000  }
0x3: {  	_ = 	snop  }
0x4: {  	_ = 	snop  }
0x5: {  	_ = 	snop  }
0x6: {  	_ = 	snop  }
0x7: {  	_ = 	snop  }
__scs_overlays_trampoline_lowered:
0x8: {  	[smem:$0x3FA3] =	sst s0  }
0x9: {  	[smem:$0x3FA4] =	sst s1  }
0xa: {  	[smem:$0x3FA5] =	sst s2  }
0xb: {  	[smem:$0x3FA6] =	sst s3  }
0xc: {  	[smem:$0x3FA7] =	sst s4  }
0xd: {  	[smem:$0x3FA8] =	sst s5  }
0xe: {  	[smem:$0x3FA9] =	sst s6  }
0xf: {  	[smem:$0x3FAA] =	sst s7  }
0x10: {  	[smem:$0x3FAB] =	sst s8  }
0x11: {  	[smem:$0x3FAC] =	sst s9;
	s0 =	simm.s32 @!p0 $0x0  }
0x12: {  	s1 =	sld [smem:$0x3F92];
	s0 =	simm.s32 @p0 $0x1  }
0x13: {  	[smem:$0x3FAD] =	sst s0;
	s0 =	simm.s32 @!p1 $0x0  }
0x14: {  	s2 =	sld [smem:$0x3F91];
	s0 =	simm.s32 @p1 $0x1  }
0x15: {  	[smem:$0x3FAE] =	sst s0;
	s0 =	simm.s32 @!p2 $0x0  }
0x16: {  	s3 =	sld [smem:$0x3FDB];
	s0 =	simm.s32 @p2 $0x1  }
0x17: {  	s4 =	simm.s32 $0x1BF5;
	[smem:$0x3FB0] =	sst s0  }
0x18: {  	s0 =	sld [smem:$0x3F93];
	_ =	swait.ge [sflag:s4], $0x0  }
0x19: {  	s7 =	sld [smem:$0x3F94]  }
0x1a: {  	s8 =	sadd.s32 $0xFFFFE003, lr  }
0x1b: {  	s9 =	sadd.s32 $0xFFFFFEF7, lr;
	s5 =	simm.s32 $0xFFFFFFFF;
	p2 =	slt.u32 s8, $0xFFFFF086  }
0x1c: {  	p1 =	slt.u32 s9, $0xF7A;
	s5 =	simm.s32 @!p2 $0x0  }
0x1d: {  	s5 =	simm.s32 @p1 $0x1;
	p0 =	seq.s32 s7, s2  }
0x1e: {  	s7 =	smul.u32 @!p0 $0xF7A, s2;
	p2 =	seq.s32 @!p0 s5, $0x0  }
0x1f: {  	s9 =	smul.u32 $0xF7A, s1;
	s8 =	simm.s32 @!p0 $0x1BF5;
	p2 =	por !p2, p0  }
0x20: {  	[sflag:s8] =	ssyncset.s32 @!p0 $0xFFFFF086;
	s6 =	sadd.s32 @!p0 s3, s7;
	s7 =	simm.s32 @!p0 $0x108  }
0x21: {  	s3 =	sadd.s32 s3, s9;
	s6 =	sadd.s32 @!p0 $0x88, s6;
	s7 =	simm.s32 @p2 $0x1082  }
0x22: {  	[simem:s7], [sflag:s8] =	dma.local @!p0 [hbm:s6], $0xF7A  }
0x23: {  	s9 =	sor.u32 $0xD0000000, s2;
	s6 =	simm.s32 $0x108;
	_ =	swait.ge @!p0 [sflag:s8], $0x0  }
0x24: {  	s3 =	sadd.s32 $0x88, s3;
	s6 =	simm.s32 @!p1 $0x1082;
	[sflag:s4] =	ssyncset.s32 $0xFFFFF086  }
0x25: {  	[simem:s6], [sflag:s4] =	dma.local [hbm:s3], $0xF7A  }
0x26: {  	[smem:$0x3F94] =	sst s1;
	(tag) =	ssettag s2;
	_ =	strace s9  }
0x27: {  	s1 =	sld [smem:$0x3FA4]  }
0x28: {  	s2 =	sld [smem:$0x3FA5]  }
0x29: {  	s4 =	sld [smem:$0x3FA7]  }
0x2a: {  	p0 =	seq.s32 s5, $0x0;
	s5 =	sld [smem:$0x3FA8]  }
0x2b: {  	s6 =	sld [smem:$0x3FA9]  }
0x2c: {  	s7 =	sld [smem:$0x3FAA]  }
0x2d: {  	s3 =	simm.s32 $0x108;
	s8 =	sld [smem:$0x3FAB]  }
0x2e: {  	s3 =	simm.s32 @!p0 $0x1082;
	s9 =	sld [smem:$0x3FAC]  }
0x2f: {  	lr =	sadd.s32 s0, s3;
	s0 =	sld [smem:$0x3FA3]  }
0x30: {  	s3 =	sld [smem:$0x3FA6]  }
0x31: {  	[smem:$0x3FAF] =	sst s10  }
0x32: {  	s10 =	sld [smem:$0x3FAD];
	_ =	sdelay $0x3  }
0x33: {  	p0 =	seq.s32 s10, $0x1;
	s10 =	sld [smem:$0x3FAF];
	_ =	sdelay $0x3  }
0x34: {  	[smem:$0x3FAF] =	sst s10  }
0x35: {  	s10 =	sld [smem:$0x3FAE];
	_ =	sdelay $0x3  }
0x36: {  	p1 =	seq.s32 s10, $0x1;
	s10 =	sld [smem:$0x3FAF];
	_ =	sdelay $0x3  }
0x37: {  	[smem:$0x3FAF] =	sst s10  }
0x38: {  	s10 =	sld [smem:$0x3FB0]  }
0x39: {  	_ = 	snop;
	(pc) =	sbr.ind lr, $3  }
0x3a: {  	_ = 	snop  }
0x3b: {  	_ = 	snop  }
0x3c: {  	p2 =	seq.s32 s10, $0x1;
	s10 =	sld [smem:$0x3FAF]  }
0x3d: {  	_ =	shalt  }
0x3e: {  	_ =	shalt  }
0x3f: {  	_ =	shalt  }
0x40: {  	_ =	shalt  }
0x41: {  	_ =	shalt  }
0x42: {  	_ =	shalt  }
0x43: {  	_ =	shalt  }
0x44: {  	_ =	shalt  }
0x45: {  	_ =	shalt  }
0x46: {  	_ =	shalt  }
0x47: {  	_ =	shalt  }
0x48: {  	_ =	shalt  }
0x49: {  	_ =	shalt  }
0x4a: {  	_ =	shalt  }
0x4b: {  	_ =	shalt  }
0x4c: {  	_ =	shalt  }
0x4d: {  	_ =	shalt  }
0x4e: {  	_ =	shalt  }
0x4f: {  	_ =	shalt  }
0x50: {  	_ =	shalt  }
0x51: {  	_ =	shalt  }
0x52: {  	_ =	shalt  }
0x53: {  	_ =	shalt  }
0x54: {  	_ =	shalt  }
0x55: {  	_ =	shalt  }
0x56: {  	_ =	shalt  }
0x57: {  	_ =	shalt  }
0x58: {  	_ =	shalt  }
0x59: {  	_ =	shalt  }
0x5a: {  	_ =	shalt  }
0x5b: {  	_ =	shalt  }
0x5c: {  	_ =	shalt  }
0x5d: {  	_ =	shalt  }
0x5e: {  	_ =	shalt  }
0x5f: {  	_ =	shalt  }
0x60: {  	_ =	shalt  }
0x61: {  	_ =	shalt  }
0x62: {  	_ =	shalt  }
0x63: {  	_ =	shalt  }
0x64: {  	_ =	shalt  }
0x65: {  	_ =	shalt  }
0x66: {  	_ =	shalt  }
0x67: {  	_ =	shalt  }
0x68: {  	_ =	shalt  }
0x69: {  	_ =	shalt  }
0x6a: {  	_ =	shalt  }
0x6b: {  	_ =	shalt  }
0x6c: {  	_ =	shalt  }
0x6d: {  	_ =	shalt  }
0x6e: {  	_ =	shalt  }
0x6f: {  	_ =	shalt  }
0x70: {  	_ =	shalt  }
0x71: {  	_ =	shalt  }
0x72: {  	_ =	shalt  }
0x73: {  	_ =	shalt  }
0x74: {  	_ =	shalt  }
0x75: {  	_ =	shalt  }
0x76: {  	_ =	shalt  }
0x77: {  	_ =	shalt  }
0x78: {  	_ =	shalt  }
0x79: {  	_ =	shalt  }
0x7a: {  	_ =	shalt  }
0x7b: {  	_ =	shalt  }
0x7c: {  	_ =	shalt  }
0x7d: {  	_ =	shalt  }
0x7e: {  	_ =	shalt  }
0x7f: {  	_ =	shalt  }
0x80: {  	_ =	shalt  }
0x81: {  	_ =	shalt  }
0x82: {  	_ =	shalt  }
0x83: {  	_ =	shalt  }
0x84: {  	_ =	shalt  }
0x85: {  	_ =	shalt  }
0x86: {  	_ =	shalt  }
0x87: {  	_ =	shalt  }
.Lfunc_end0:
.L_simem_size_0:
called_computation_lowered:
.L_overlay_start_0:
0x88: {  	s2 =	sld [smem:$0x3FD9]  }
0x89: {  	s3 =	sld [smem:$0x3FFE];
	_ =	sdelay $0x1  }
0x8a: {  	s1 =	srdreg.scid  }
0x8b: {  	s0 =	sand.u32 $0x1, s1  }
0x8c: {  	s15 =	sshll.u32 s0, $0xA;
	s2 =	sadd.s32 s3, s2  }
0x8d: {  	s2 =	sadd.s32 s2, s15  }
0x8e: {  	[smem:$0x3FBB] =	sst s2  }
0x8f: {  	_ = 	snop  }
0x90: {  	s2 =	sld [smem:$0x3FD0];
	_ =	sdelay $0x2  }
0x91: {  	s4 =	simm.s32 $0xA;
	s5 =	simm.s32 $0x10;
	s16 =	sld [smem:$0x3FC7]  }
0x92: {  	[smem:s5], [sflag:s4] =	dma.local [hbm:s2], $0x1  }
0x93: {  	_ =	swait.eq [sflag:s4], $0x1  }
0x94: {  	[sflag:s4] =	ssyncset.done $0x0  }
0x95: {  	s17 =	sld [smem:$0x10];
	[sflag:s4] =	ssyncadd.s32 $0xFFFFFFFF  }
0x96: {  	s18 =	sld [smem:$0x12];
	(tm) =	ssettm $0x1  }
0x97: {  	s19 =	sld [smem:$0x3FFB];
	_ =	sdelay $0x3  }
0x98: {  	_ =	strace s19  }
0x99: {  	s5 =	sld [smem:$0x3FFC];
	_ =	sdelay $0x3  }
0x9a: {  	_ =	strace s5  }
0x9b: {  	s5 =	sld [smem:$0x3FFD];
	_ =	sdelay $0x3  }
0x9c: {  	_ =	strace s5  }
0x9d: {  	_ =	strace $0x8FFFFFFF  }
0x9e: {  	s20 =	sld [smem:$0x3FDB];
	_ =	sdelay $0x1  }
0x9f: {  	s6 =	simm.s32 $_scs_section_size  }
0xa0: {  	s7 =	simm.s32 $_size__tile_overlayer_lowered;
	s8 =	simm.s32 $_tile_overlayer_lowered  }
0xa1: {  	s23 =	simm.s32 $0x1BFF;
	s22 =	sshll.u32 s8, $0x1;
	s5 =	sadd.s32 s6, s20  }
0xa2: {  	s9 =	simm.s32 $0x0;
	s21 =	sshll.u32 s7, $0x1;
	s7 =	sadd.s32 s22, s5  }
0xa3: {  	[timem:s9], [sflag:s23] =	dma.local [hbm:s7], s21  }
0xa4: {  	_ =	swait.ge [sflag:s23], s21  }
0xa5: {  	s6 =	ssub.s32 $0x0, s21;
	[sflag:s23] =	ssyncset.done $0x0  }
0xa6: {  	[sflag:s23] =	ssyncadd.s32 s6;
	_ =	sdelay $0x1  }
0xa7: {  	s24 =	simm.s32 $0x1B8B  }
0xa8: {  	_ =	swait.ge [sflag:s24], $0x1  }
0xa9: {  	[sflag:s24] =	ssyncset.done $0x0  }
0xaa: {  	s25 =	simm.s32 $0x1B8E;
	[sflag:s24] =	ssyncadd.s32 $0xFFFFFFFF  }
0xab: {  	s26 =	simm.s32 $execute0_lowered;
	[smem:$0x3FD2] =	sst s25  }
0xac: {  	s6 =	sshll.u32 s26, $0x1;
	_ =	strace $0x80000046;
	[dreg:$0x1] =	wrdreg $0xFFFFFFFF  }
0xad: {  	s28 =	simm.s32 $_size_execute0_lowered;
	s5 =	sadd.s32 s5, s6;
	[dreg:$0x0] =	wrdreg $0x0  }
0xae: {  	s6 =	sshll.u32 s28, $0x1;
	[dreg:$0x2] =	wrdreg s5  }
0xaf: {  	[dreg:$0x3] =	wrdreg s6  }
0xb0: {  	[dreg:$0x4] =	wrdreg $0xC0  }
0xb1: {  	_ =	task [dreg:s9], $0x5FFFF  }
0xb2: {  	[dreg:$0x1] =	wrdreg $0xFFFFFFFF  }
0xb3: {  	[dreg:$0x0] =	wrdreg $0x60  }
0xb4: {  	[dreg:$0x2] =	wrdreg s16  }
0xb5: {  	[dreg:$0x3] =	wrdreg s18  }
0xb6: {  	[dreg:$0x4] =	wrdreg s17  }
0xb7: {  	[dreg:$0x5] =	wrdreg $0x9  }
0xb8: {  	_ =	task.clear_ibuf [dreg:s9], $0x6FFFF;
	_ =	strace $0x90000046  }
0xb9: {  	s29 =	simm.s32 $0x9;
	_ =	strace $0x80000048  }
0xba: {  	_ =	swait.ge [sflag:s29], $0x1  }
0xbb: {  	[sflag:s29] =	ssyncadd.s32 $0xFFFFFFFF  }
0xbc: {  	_ =	strace $0x90000048  }
0xbd: {  	_ =	sfence  }
0xbe: {  	s30 =	sld [smem:$0x0];
	_ =	sdelay $0x2  }
0xbf: {  	s31 =	sshll.u32 s1, $0xD;
	s1 =	sshrl.u32 s1, $0x2  }
0xc0: {  	s3 =	sand.u32 $0x4000, s31;
	s1 =	sadd.s32 s1, s30  }
0xc1: {  	s0 =	sor.u32 s3, s0;
	s1 =	sshll.u32 s1, $0x11  }
0xc2: {  	s0 =	sor.u32 s1, s0  }
0xc3: {  	s0 =	sadd.s32 $0x8F2B, s0  }
0xc4: {  	[sflag:s0] =	ssyncadd.remote.s32 $0x1  }
0xc5: {  	_ =	sfence.sel $0xFFFF  }
0xc6: {  	[dreg:$0x0] =	wrdreg $0xFFFFFFFF;
	(pc) =	sbr.abs _section_cstart, $3  }
0xc7: {  	[dreg:$0x1] =	wrdreg $0xFFFFFFFF  }
0xc8: {  	_ =	task.clear_ibuf [dreg:s9], $0x2FFFF;
	_ =	strace $0x9FFFFFFF  }
0xc9: {  	(tm) =	ssettm $0x7FFFFFFF  }
tec
execute0_lowered:
.L_overlay_start_1:
0x0: {  	(tag) =	ssettag $0x1  }
0x1: {  	s1 =	srdreg.scid;
	s2 =	rddreg [dreg:$0x0]  }
0x2: {  	s0 =	stileid.u32;
	s3 =	rddreg [dreg:$0x1]  }
0x3: {  	s4 =	rddreg [dreg:$0x2];
	s6 =	simm.s32 $0x1;
	s1 =	sshll.u32 s1, $0xB  }
0x4: {  	s9 =	simm.s32 $0x1;
	s5 =	sshll.u32 s0, $0xC;
	s1 =	sand.u32 $0x800, s1  }
0x5: {  	s10 =	simm.s32 $0x3;
	s13 =	simm.s32 $0x0;
	s5 =	sor.u32 s5, s1  }
0x6: {  	s12 =	simm.s32 $0x0;
	s1 =	rddreg [dreg:$0x3];
	s8 =	ssub.s32 $0x12000, s5  }
.Ltmp0:
0x7: {  	_ =	strace $0x80000047;
	s7 =	sand.u32 $0xF800, s8;
	(pc) =	sbr.rel .LBB2_1-.Ltmp0, $4  }
0x8: {  	[sflag:s6] =	ssyncpa.u1 $0x0;
	s11 =	smov.u32 s5;
	p0 =	sne.s32 s7, $0x0  }
0x9: {  	s8 =	sshrl.u32 s8, $0x10;
	s7 =	simm.s32 $0x2;
	s9 =	simm.s32 @!p0 $0x0  }
0xa: {  	[sflag:s7] =	ssyncpa.u1 $0x0;
	p0 =	por $0x0, $0x0;
	s8 =	sadd.s32 s9, s8  }
0xb: {  	vm0 =	vmmov $0xffff;
	[sflag:s10] =	ssyncpa.u1 $0x0;
	s10 =	simm.s32 $0x0;
	s9 =	sadd.s32 $0x1, s8  }
.LBB2_4:
0xc: {  	v2 =	vsel vm1, $0xFFFFFFFF, v2;
	v3 =	vshrl.u32 v0, $0x6;
	v61 =	vshll.u32 v0, $0xB  }
0xd: {  	v3 =	vand.u32 $0x7FF, v3;
	v0 =	vand.u32 $0x18000, v61;
	v4 =	vshll.u32 v2, $0xB  }
0xe: {  	v2 =	vshll.u32 v2, $0x7;
	v0 =	vsel vm1, $0xFFFF8000, v0;
	v4 =	vand.u32 $0xFFFFC000, v4  }
0xf: {  	v3 =	vsel vm1, $0xFFFFFFFF, v3;
	v2 =	vand.u32 $0x380, v2;
	v0 =	vadd.s32 v0, v4  }
0x10: {  	v62 =	vand.u32 $0x7F, v3;
	v3 =	vshll.u32 v3, $0x3;
	v0 =	vor.u32 v2, v0  }
0x11: {  	v63 =	vand.u32 $0xFFFFFC00, v3;
	v0 =	vor.u32 v62, v0  }
0x12: {  	v0 =	vadd.s32 v63, v0;
	_ =	sdelay $0x1  }
0x13: {  	(ifvalue) =	ssetifvalue $0x7FFFFFFF;
	s14 =	sadd.s32 $0x10, s14  }
0x14: {  	[tilespmem:s14], [sflag:$0x1] =	stream.indirect_vreg.gather [hbm4b:s2+s10], $0x1, v1, vm0, $0x4038;
	[tilespmem:$0x2000] =	vst v63  }
0x15: {  	(ifvalue) =	ssetifvalue $0x7FFFFFFF;
	s14 =	sadd.s32 $0x10, s14  }
0x16: {  	[tilespmem:s14], [sflag:$0x1] =	stream.indirect_vreg.gather [hbm4b:s2+s10], $0x1, v0, vm0, $0x4038;
	[tilespmem:$0x2000] =	vst v63  }
0x17: {  	_ =	swait.ge [sflag:s6], $0x800  }
0x18: {  	s30 =	sshrl.u32 s13, $0x3;
	[sflag:s6] =	ssyncset.done $0x0  }
0x19: {  	s31 =	sand.u32 $0x7, s13;
	s14 =	sadd.s32 s4, s30;
	[sflag:s6] =	ssyncadd.s32 $0xFFFFF800  }
0x1a: {  	[hbm4b:s14+s31] =	stream.linear.scatter [tilespmem:s15], [sflag:$0x3], $0x800, $0x38;
	[tilespmem:$0x2000] =	vst v63  }
.LBB2_5:
0x1b: {  	s15 =	sadd.s32 $0x10000, s11  }
0x1c: {  	p2 =	sgt.s32 s15, $0x11FFF  }
0x1d: {  	s15 =	smov.u32 @p2 s5;
	p2 =	sne.s32 s12, s9  }
.Ltmp1:
0x1e: {  	p1 =	slt.u32 s12, $0x2;
	(pc) =	sbr.rel @!p2 .LBB2_6-.Ltmp1, $4  }
0x1f: {  	s14 =	simm.s32 @!p1 $0x3  }
0x20: {  	s16 =	sadd.s32 $0x1, s12;
	_ =	swait.ge @!p1 [sflag:s14], $0x800  }
0x21: {  	s13 =	smov.u32 s11;
	p0 =	por !p0, !p0;
	[sflag:s14] =	ssyncset.done @!p1 $0x0  }
0x22: {  	s12 =	smov.u32 s16;
	s11 =	smov.u32 s15;
	[sflag:s14] =	ssyncadd.s32 @!p1 $0xFFFFF800  }
.LBB2_1:
0x23: {  	p1 =	sge.u32 s12, s8  }
0x24: {  	s14 =	sxor.u32 @!p1 $0xFFFFFFFF, s12  }
0x25: {  	s31 =	sadd.s32 $0xFFFFFFFF, s12;
	s15 =	sshrl.u32 @!p1 s11, $0x3;
	s14 =	sshll.u32 @!p1 s14, $0xB  }
0x26: {  	s16 =	sand.u32 @!p1 $0x7, s11;
	s15 =	sadd.s32 @!p1 s3, s15;
	s14 =	sand.u32 @!p1 $0x800, s14  }
0x27: {  	[tilespmem:s14], [sflag:$0x2] =	stream.linear.gather @!p1 [hbm4b:s15+s16], $0x800, $0x38;
	[tilespmem:$0x2000] =	vst v63  }
0x28: {  	p1 =	sge.u32 s31, s8  }
.Ltmp2:
0x29: {  	_ = 	snop;
	(pc) =	sbr.rel @p1 .LBB2_5-.Ltmp2, $1  }
0x2a: {  	_ =	sdelay $0x3  }
0x2b: {  	s14 =	simm.s32 $0x1  }
0x2c: {  	_ =	swait.ge [sflag:s7], $0x800;
	s14 =	simm.s32 @!p0 $0x0  }
0x2d: {  	[sflag:s7] =	ssyncset.done $0x0;
	s14 =	sshll.u32 s14, $0xB  }
0x2e: {  	[sflag:s7] =	ssyncadd.s32 $0xFFFFF800;
	(ifvalue) =	ssetifvalue $0x7FFFFFFF;
	v0 =	vld.msk [tilespmem:s14+$0x0 ss:$0x1], $0xffff;
	_ =	sdelay $0x1  }
0x2f: {  	s15 =	sadd.s32 $0x10, s14  }
0x30: {  	v3 =	vld.msk [tilespmem:s15+$0x0 ss:$0x1], $0xffff;
	_ =	sdelay $0x1  }
0x31: {  	vm1 =	veq.s32 v0, $0x80000000  }
0x32: {  	v1 =	vand.u32 $0xF, v0;
	v2 =	vshrl.u32 v0, $0x6;
	v0 =	vshll.u32 v0, $0xB  }
0x33: {  	v1 =	vsel vm1, $0xFFFFFFFF, v1;
	v2 =	vand.u32 $0x7FF, v2;
	v0 =	vand.u32 $0x18000, v0  }
0x34: {  	v62 =	vshrl.u32 v3, $0x6;
	v4 =	vshll.u32 v1, $0xB;
	v0 =	vsel vm1, $0xFFFF8000, v0  }
0x35: {  	v1 =	vshll.u32 v1, $0x7;
	v2 =	vsel vm1, $0xFFFFFFFF, v2;
	v4 =	vand.u32 $0xFFFFC000, v4  }
0x36: {  	vm1 =	veq.s32 v3, $0x80000000;
	v1 =	vand.u32 $0x380, v1;
	v0 =	vadd.s32 v0, v4  }
0x37: {  	v61 =	vand.u32 $0x7F, v2;
	v2 =	vshll.u32 v2, $0x3;
	v0 =	vor.u32 v1, v0  }
0x38: {  	v1 =	vand.u32 $0xFFFFFC00, v2;
	v2 =	vand.u32 $0xF, v3;
	v0 =	vor.u32 v61, v0  }
0x39: {  	s17 =	sadd.s32 $0x10, s15;
	v3 =	vshll.u32 v3, $0xB;
	v2 =	vsel vm1, $0xFFFFFFFF, v2;
	v1 =	vadd.s32 v1, v0  }
0x3a: {  	v4 =	vand.u32 $0x7FF, v62;
	v3 =	vand.u32 $0x18000, v3;
	v0 =	vld.msk [tilespmem:s17+$0x0 ss:$0x1], $0xffff;
	v5 =	vshll.u32 v2, $0xB  }
0x3b: {  	v3 =	vsel vm1, $0xFFFF8000, v3;
	v2 =	vshll.u32 v2, $0x7;
	v5 =	vand.u32 $0xFFFFC000, v5  }
0x3c: {  	s31 =	sshll.u32 s12, $0xB;
	v4 =	vsel vm1, $0xFFFFFFFF, v4;
	v2 =	vand.u32 $0x380, v2;
	v3 =	vadd.s32 v3, v5  }
0x3d: {  	s14 =	sor.u32 $0x1000, s14;
	s15 =	sand.u32 $0x800, s31;
	v63 =	vand.u32 $0x7F, v4;
	v4 =	vshll.u32 v4, $0x3;
	(ifvalue) =	ssetifvalue $0x7FFFFFFF;
	v2 =	vor.u32 v2, v3  }
0x3e: {  	v3 =	vor.u32 v63, v2;
	[tilespmem:s14], [sflag:$0x1] =	stream.indirect_vreg.gather [hbm4b:s2+s10], $0x1, v1, vm0, $0x4038;
	v1 =	vand.u32 $0xFFFFFC00, v4;
	[tilespmem:$0x2000] =	vst v63  }
0x3f: {  	s16 =	simm.s32 $0x20;
	s15 =	sor.u32 $0x1000, s15;
	s17 =	sadd.s32 $0x10, s17;
	vm1 =	veq.s32 v0, $0x80000000;
	v2 =	vand.u32 $0xF, v0;
	v1 =	vadd.s32 v1, v3  }
.LBB2_3:
0x40: {  	s16 =	sadd.s32 $0x10, s16;
	v2 =	vsel vm1, $0xFFFFFFFF, v2;
	v3 =	vshrl.u32 v0, $0x6;
	v4 =	vshll.u32 v0, $0xB;
	v0 =	vld.msk [tilespmem:s17+$0x0 ss:$0x1], $0xffff  }
0x41: {  	p1 =	slt.u32 s16, $0x7F0;
	v3 =	vand.u32 $0x7FF, v3;
	v4 =	vand.u32 $0x18000, v4;
	v5 =	vshll.u32 v2, $0xB  }
.Ltmp3:
0x42: {  	v2 =	vshll.u32 v2, $0x7;
	v4 =	vsel vm1, $0xFFFF8000, v4;
	v5 =	vand.u32 $0xFFFFC000, v5;
	(pc) =	sbr.rel @p1 .LBB2_3-.Ltmp3, $4  }
0x43: {  	s14 =	sadd.s32 $0x10, s14;
	v3 =	vsel vm1, $0xFFFFFFFF, v3;
	v2 =	vand.u32 $0x380, v2;
	v4 =	vadd.s32 v4, v5;
	(ifvalue) =	ssetifvalue $0x7FFFFFFF  }
0x44: {  	v5 =	vand.u32 $0x7F, v3;
	v3 =	vshll.u32 v3, $0x3;
	v2 =	vor.u32 v2, v4;
	[tilespmem:s14], [sflag:$0x1] =	stream.indirect_vreg.gather [hbm4b:s2+s10], $0x1, v1, vm0, $0x4038;
	[tilespmem:$0x2000] =	vst v63  }
0x45: {  	v1 =	vand.u32 $0xFFFFFC00, v3;
	v3 =	vor.u32 v5, v2  }
0x46: {  	s17 =	sadd.s32 $0x10, s17;
	vm1 =	veq.s32 v0, $0x80000000;
	v2 =	vand.u32 $0xF, v0;
	v1 =	vadd.s32 v1, v3  }
.Ltmp4:
0x47: {  	_ = 	snop;
	(pc) =	sbr.rel .LBB2_4-.Ltmp4, $1  }
0x48: {  	_ =	sdelay $0x3  }
.LBB2_6:
0x49: {  	_ =	sfence.sel $0x180000  }
0x4a: {  	s2 =	simm.s32 $0x2;
	[bflag:$0x0] =	sbarrier.arrive $0xFFFF  }
0x4b: {  	s30 =	simm.s32 $0x3;
	[sflag:s2] =	ssyncpa.u1 $0x1  }
0x4c: {  	s31 =	simm.s32 $0x1;
	[sflag:s30] =	ssyncpa.u1 $0x1  }
0x4d: {  	[sflag:s31] =	ssyncpa.u1 $0x1  }
0x4e: {  	p0 =	sne.s32 s0, $0x0;
	_ =	strace $0x90000047  }
0x4f: {  	s0 =	sadd.s32 @!p0 $0x100000, s1;
	[bflag:$0x2] =	sbarrier.arrive $0xFFFF  }
0x50: {  	[sflag:s0] =	ssyncadd.tile.s32 @!p0 $0x1;
	_ =	shalt  }
.Lfunc_end2:
_tile_overlayer_lowered:
.L_overlay_start_2:
0x51: {  	(tag) =	ssettag $0x2  }
0x52: {  	s0 =	rddreg [dreg:$0x0];
	s2 =	stileid.u32  }
0x53: {  	s1 =	rddreg [dreg:$0x1];
	p0 =	sne.s32 s2, $0x0  }
0x54: {  	s3 =	rddreg [dreg:$0x2];
	[bflag:$0x3] =	sbarrier.arrive $0xFFFF;
	s2 =	simm.s32 @!p0 $0x1C01  }
0x55: {  	[timem:s3], [sflag:s2] =	dma.local @!p0 [hbm:s0], s1  }
0x56: {  	s0 =	simm.s32 @!p0 $0x1  }
0x57: {  	_ =	swait.ge @!p0 [sflag:s0], s1  }
0x58: {  	s1 =	ssub.s32 @!p0 $0x0, s1;
	[sflag:s0] =	ssyncset.done @!p0 $0x0  }
0x59: {  	[sflag:s0] =	ssyncadd.s32 @!p0 s1  }
0x5a: {  	[bflag:$0x3] =	sbarrier.arrive $0xFFFF  }
0x5b: {  	_ =	shalt  }

</sc_bundles>
